<compile_context>
chip_gen: v7x
topology: tpu7x:2x2x1
jax: 0.10.2.dev20260603
libtpu: 0.0.44.dev20260713+nightly
codegen_flags: <defaults>
</compile_context>

<pallas_src>
import functools

import jax
import jax.numpy as jnp
from jax import lax
from jax.experimental import pallas as pl
from jax.experimental.pallas import tpu as pltpu
from jax.experimental.pallas import tpu_sc as plsc

N = 10000
E = 320000
D = 128
H = 128
HO = 64
G = 64

NP_ = 10240
NBLK = NP_ // 128
NC = 2
NS = 16
LANES = 16

EP = E

f32 = jnp.float32
i32 = jnp.int32



def _zero_fill(zbuf, zr, c):
    zv = jnp.zeros((16,), f32)
    for r in range(zr):
        for k in range(c // 16):
            zbuf[r, pl.ds(k * 16, 16)] = zv


@functools.partial(jax.jit, static_argnames=("nprob",))
def _sc_route_multi(*flat, nprob):
    ept = EP // (NC * NS)

    def body(*refs):
        ins = refs[:4 * nprob]
        outs = refs[4 * nprob:4 * nprob + 2 * nprob]
        s_v, d_v, src_v, dst_v, sro, dro = refs[4 * nprob + 2 * nprob:]
        c = lax.axis_index("c")
        t = lax.axis_index("s")
        w = c * NS + t
        zero16 = jnp.zeros((16,), i32)
        npv = jnp.full((16,), NP_, i32)
        for p in range(nprob):
            src_h, dst_h, s_h, d_h = ins[4 * p:4 * p + 4]
            sr_h, dr_h = outs[2 * p:2 * p + 2]
            pltpu.sync_copy(s_h, s_v)
            pltpu.sync_copy(d_h, d_v)
            pltpu.sync_copy(src_h.at[pl.ds(w * ept, ept)], src_v)
            pltpu.sync_copy(dst_h.at[pl.ds(w * ept, ept)], dst_v)

            def it(k, _):
                sl = pl.ds(k * 16, 16)
                s16 = src_v[sl]
                d16 = dst_v[sl]
                sg = plsc.load_gather(s_v, [s16])
                dg = plsc.load_gather(d_v, [d16])
                off = jnp.where(sg + dg > 0.0, zero16, npv)
                sro[sl] = s16 + off
                dro[sl] = d16 + off
                return 0

            lax.fori_loop(0, ept // 16, it, 0)
            pltpu.sync_copy(sro, sr_h.at[pl.ds(w * ept, ept)])
            pltpu.sync_copy(dro, dr_h.at[pl.ds(w * ept, ept)])

    mesh = plsc.VectorSubcoreMesh(core_axis_name="c", subcore_axis_name="s")
    run = pl.kernel(
        body,
        out_type=[jax.ShapeDtypeStruct((EP,), i32)] * (2 * nprob),
        mesh=mesh,
        scratch_types=[
            pltpu.VMEM((NP_,), f32),
            pltpu.VMEM((NP_,), f32),
            pltpu.VMEM((ept,), i32),
            pltpu.VMEM((ept,), i32),
            pltpu.VMEM((ept,), i32),
            pltpu.VMEM((ept,), i32),
        ],
        compiler_params=pltpu.CompilerParams(needs_layout_passes=False, use_tc_tiling_on_sc=False),
    )
    return run(*flat)


@functools.partial(jax.jit, static_argnames=("cols", "routed"))
def _sc_rows(table3, sidx2, didx2, *, cols, routed):
    B = 80
    NBUF = 3
    CH = 25
    arows = table3.shape[1]
    nbatch = sidx2.shape[0] // (NS if routed else NC * NS)
    nchunk = nbatch // CH
    rpt = arows // NS
    LA = NBUF - 1

    def body(table_h, sidx_h, didx_h, out_h, *scr):
        sic, dic = scr[0], scr[1]
        rows_b = scr[2:2 + NBUF]
        acc = scr[2 + NBUF]
        gsem = scr[3 + NBUF:3 + 2 * NBUF]
        ssem = scr[3 + 2 * NBUF:3 + 3 * NBUF]
        c = lax.axis_index("c")
        t = lax.axis_index("s")
        tab = table_h.at[c] if routed else table_h.at[0]
        w = t if routed else c * NS + t
        _zero_fill(rows_b[0], B, cols)
        base = t * rpt
        for j in range(rpt // B):
            pltpu.sync_copy(rows_b[0], acc.at[pl.ds(base + j * B, B)])
        plsc.subcore_barrier()

        brow0 = w * nbatch
        for ch in range(nchunk):
            pltpu.sync_copy(sidx_h.at[pl.ds(brow0 + ch * CH, CH)], sic)
            pltpu.sync_copy(didx_h.at[pl.ds(brow0 + ch * CH, CH)], dic)
            for j in range(LA):
                pltpu.async_copy(tab.at[sic.at[j]], rows_b[j], gsem[j])
            for j in range(CH):
                r = j % NBUF
                jn = j + LA
                if jn < CH:
                    if j >= 1:
                        pltpu.make_async_copy(rows_b[(j - 1) % NBUF],
                                              acc.at[dic.at[j - 1]],
                                              ssem[(j - 1) % NBUF]).wait()
                    pltpu.async_copy(tab.at[sic.at[jn]], rows_b[jn % NBUF],
                                     gsem[jn % NBUF])
                pltpu.make_async_copy(tab.at[sic.at[j]], rows_b[r],
                                      gsem[r]).wait()
                pltpu.async_copy(rows_b[r], acc.at[dic.at[j]], ssem[r],
                                 add=True)
            for j in range(max(0, CH - NBUF), CH):
                pltpu.make_async_copy(rows_b[j % NBUF],
                                      acc.at[dic.at[j]],
                                      ssem[j % NBUF]).wait()
        plsc.subcore_barrier()
        pltpu.sync_copy(acc.at[pl.ds(base, rpt)],
                        out_h.at[pl.ds(c * arows + base, rpt)])

    mesh = plsc.VectorSubcoreMesh(core_axis_name="c", subcore_axis_name="s")
    scratch = ([pltpu.VMEM((CH, B), i32), pltpu.VMEM((CH, B), i32)]
               + [pltpu.VMEM((B, cols), f32)] * NBUF
               + [pltpu.VMEM_SHARED((arows, cols), f32)]
               + [pltpu.SemaphoreType.DMA] * (2 * NBUF))
    run = pl.kernel(
        body,
        out_type=jax.ShapeDtypeStruct((2 * arows, cols), f32),
        mesh=mesh,
        scratch_types=scratch,
        compiler_params=pltpu.CompilerParams(needs_layout_passes=False, use_tc_tiling_on_sc=False),
    )
    return run(table3, sidx2, didx2)



def _full(shape):
    return pl.BlockSpec(shape, lambda i: (0,) * len(shape))


def _prep(x, W0, b0, Wc, A):
    def body(x_r, w0_r, b0_r, wc_r, a_r, xp_r, sd_r, bm_r):
        y = jnp.dot(x_r[...], w0_r[...], preferred_element_type=f32) + b0_r[...]
        xp = jnp.dot(y, wc_r[...], preferred_element_type=f32)
        sd = jnp.dot(xp, a_r[...], preferred_element_type=f32)
        xp_r[...] = xp
        sd_r[...] = sd
        bm_r[...] = jnp.max(sd, axis=0, keepdims=True)[None]

    return pl.pallas_call(
        body,
        grid=(NBLK,),
        in_specs=[
            pl.BlockSpec((128, D), lambda i: (i, 0)),
            _full((D, H)), _full((1, H)), _full((H, H)), _full((H, 2)),
        ],
        out_specs=[
            pl.BlockSpec((128, H), lambda i: (i, 0)),
            pl.BlockSpec((128, 2), lambda i: (i, 0)),
            pl.BlockSpec((1, 1, 2), lambda i: (i, 0, 0)),
        ],
        out_shape=[
            jax.ShapeDtypeStruct((NP_, H), f32),
            jax.ShapeDtypeStruct((NP_, 2), f32),
            jax.ShapeDtypeStruct((NBLK, 1, 2), f32),
        ],
    )(x, W0, b0, Wc, A)


def _tables(xp, sd, K, cf, cols):
    ch = cf // 2

    def body(xp_r, sd_r, k_r, tab_r, dd_r):
        s = sd_r[...][:, 0:1]
        d = sd_r[...][:, 1:2]
        kv = k_r[...]
        p = jnp.exp(s - kv[0, 0])
        n = jnp.exp(0.2 * s - kv[0, 1])
        dd_r[...] = jnp.concatenate(
            [jnp.exp(d - kv[0, 2]), jnp.exp(0.2 * d - kv[0, 3])], axis=1)
        xpv = xp_r[...]
        pad = jnp.zeros((128, cols - ch - 1), f32)
        for c in range(2):
            xc = xpv[:, c * ch:(c + 1) * ch]
            tab_r[c, 0, :, :] = jnp.concatenate([xc * p, p, pad], axis=1)
            tab_r[c, 1, :, :] = jnp.concatenate([xc * n, n, pad], axis=1)

    return pl.pallas_call(
        body,
        grid=(NBLK,),
        in_specs=[
            pl.BlockSpec((128, cf), lambda i: (i, 0)),
            pl.BlockSpec((128, 2), lambda i: (i, 0)),
            _full((1, 4)),
        ],
        out_specs=[
            pl.BlockSpec((2, 2, 128, cols), lambda i: (0, 0, i, 0)),
            pl.BlockSpec((128, 2), lambda i: (i, 0)),
        ],
        out_shape=[
            jax.ShapeDtypeStruct((2, 2, NP_, cols), f32),
            jax.ShapeDtypeStruct((NP_, 2), f32),
        ],
    )(xp, sd, K)


def _fuse2(accd, dd, bias, Wi, Ai, Ws, Wd, a_s1, a_d1):
    ch = H // 2

    def body(a0_r, a1_r, a2_r, a3_r, dd_r, b_r, wi_r, ai_r, ws_r, wd_r,
             as_r, ad_r, xpi_r, sdi_r, bmi_r, xps_r, sdj_r, bmj_r):
        dP = dd_r[...][:, 0:1]
        dN = dd_r[...][:, 1:2]
        halves = []
        for (ap, an) in ((a0_r, a1_r), (a2_r, a3_r)):
            apv = ap[...]
            anv = an[...]
            num = dP * apv[:, :ch] + dN * anv[:, :ch]
            den = dP * apv[:, ch:ch + 1] + dN * anv[:, ch:ch + 1] + 1e-16
            halves.append(num / den)
        y = jnp.concatenate(halves, axis=1) + b_r[...]
        y = jnp.maximum(y, 0.0)
        xe = jnp.where(y > 0, y, jnp.exp(jnp.minimum(y, 0.0)) - 1.0)
        xpi = jnp.dot(xe, wi_r[...], preferred_element_type=f32)
        sdi = jnp.dot(xpi, ai_r[...], preferred_element_type=f32)
        xpi_r[...] = xpi
        sdi_r[...] = sdi
        bmi_r[...] = jnp.max(sdi, axis=0, keepdims=True)[None]
        xps = jnp.dot(xe, ws_r[...], preferred_element_type=f32)
        xpd = jnp.dot(xe, wd_r[...], preferred_element_type=f32)
        xps_r[...] = xps
        sdj = jnp.concatenate(
            [jnp.dot(xps, as_r[...], preferred_element_type=f32),
             jnp.dot(xpd, ad_r[...], preferred_element_type=f32)], axis=1)
        sdj_r[...] = sdj
        bmj_r[...] = jnp.max(sdj, axis=0, keepdims=True)[None]

    specs = [pl.BlockSpec((128, 80), lambda i, q=q: (q * NBLK + i, 0))
             for q in range(4)]
    return pl.pallas_call(
        body,
        grid=(NBLK,),
        in_specs=specs + [
            pl.BlockSpec((128, 2), lambda i: (i, 0)),
            _full((1, H)), _full((H, HO)), _full((HO, 2)),
            _full((H, HO)), _full((H, HO)), _full((HO, 1)), _full((HO, 1)),
        ],
        out_specs=[
            pl.BlockSpec((128, HO), lambda i: (i, 0)),
            pl.BlockSpec((128, 2), lambda i: (i, 0)),
            pl.BlockSpec((1, 1, 2), lambda i: (i, 0, 0)),
            pl.BlockSpec((128, HO), lambda i: (i, 0)),
            pl.BlockSpec((128, 2), lambda i: (i, 0)),
            pl.BlockSpec((1, 1, 2), lambda i: (i, 0, 0)),
        ],
        out_shape=[
            jax.ShapeDtypeStruct((NP_, HO), f32),
            jax.ShapeDtypeStruct((NP_, 2), f32),
            jax.ShapeDtypeStruct((NBLK, 1, 2), f32),
            jax.ShapeDtypeStruct((NP_, HO), f32),
            jax.ShapeDtypeStruct((NP_, 2), f32),
            jax.ShapeDtypeStruct((NBLK, 1, 2), f32),
        ],
    )(accd, accd, accd, accd, dd, bias, Wi, Ai, Ws, Wd, a_s1, a_d1)


def _tables2(xp1, sd1, K1, xp2, sd2, K2):
    ch = HO // 2
    cols = 48

    def one(xp_r, sd_r, k_r, tab_r, dd_r):
        s = sd_r[...][:, 0:1]
        d = sd_r[...][:, 1:2]
        kv = k_r[...]
        p = jnp.exp(s - kv[0, 0])
        n = jnp.exp(0.2 * s - kv[0, 1])
        dd_r[...] = jnp.concatenate(
            [jnp.exp(d - kv[0, 2]), jnp.exp(0.2 * d - kv[0, 3])], axis=1)
        xpv = xp_r[...]
        pad = jnp.zeros((128, cols - ch - 1), f32)
        for c in range(2):
            xc = xpv[:, c * ch:(c + 1) * ch]
            tab_r[c, 0, :, :] = jnp.concatenate([xc * p, p, pad], axis=1)
            tab_r[c, 1, :, :] = jnp.concatenate([xc * n, n, pad], axis=1)

    def body(xp1_r, sd1_r, k1_r, xp2_r, sd2_r, k2_r,
             tab1_r, dd1_r, tab2_r, dd2_r):
        one(xp1_r, sd1_r, k1_r, tab1_r, dd1_r)
        one(xp2_r, sd2_r, k2_r, tab2_r, dd2_r)

    tspec = pl.BlockSpec((2, 2, 128, cols), lambda i: (0, 0, i, 0))
    vspec = pl.BlockSpec((128, 2), lambda i: (i, 0))
    xspec = pl.BlockSpec((128, HO), lambda i: (i, 0))
    tshape = jax.ShapeDtypeStruct((2, 2, NP_, cols), f32)
    vshape = jax.ShapeDtypeStruct((NP_, 2), f32)
    return pl.pallas_call(
        body,
        grid=(NBLK,),
        in_specs=[xspec, vspec, _full((1, 4)), xspec, vspec, _full((1, 4))],
        out_specs=[tspec, vspec, tspec, vspec],
        out_shape=[tshape, vshape, tshape, vshape],
    )(xp1, sd1, K1, xp2, sd2, K2)


def _combine2sag(acci, ddi, bi, accj, ddj, bj, W12):
    ch = HO // 2
    cols = 48

    def half(a0, a1, a2, a3, ddv, bv):
        dP = ddv[:, 0:1]
        dN = ddv[:, 1:2]
        outs = []
        for (ap, an) in ((a0, a1), (a2, a3)):
            apv = ap[...]
            anv = an[...]
            num = dP * apv[:, :ch] + dN * anv[:, :ch]
            den = dP * apv[:, ch:ch + 1] + dN * anv[:, ch:ch + 1] + 1e-16
            outs.append(num / den)
        return jnp.concatenate(outs, axis=1) + bv

    def body(i0_r, i1_r, i2_r, i3_r, ddi_r, bi_r,
             j0_r, j1_r, j2_r, j3_r, ddj_r, bj_r, w_r,
             rep_r, sg_r, tab_r):
        yi = half(i0_r, i1_r, i2_r, i3_r, ddi_r[...], bi_r[...])
        yj = half(j0_r, j1_r, j2_r, j3_r, ddj_r[...], bj_r[...])
        rep = jnp.concatenate([yi, yj], axis=1)
        rep_r[...] = rep
        sg = jnp.dot(rep, w_r[...], preferred_element_type=f32)
        sg_r[...] = sg
        tab_r[...] = jnp.concatenate(
            [sg[:, 1:2], jnp.zeros((128, 15), f32)], axis=1)

    aspec = [pl.BlockSpec((128, cols), lambda i, q=q: (q * NBLK + i, 0))
             for q in range(4)]
    vspec = pl.BlockSpec((128, 2), lambda i: (i, 0))
    return pl.pallas_call(
        body,
        grid=(NBLK,),
        in_specs=(aspec + [vspec, _full((1, HO))]
                  + aspec + [vspec, _full((1, HO))] + [_full((H, 2))]),
        out_specs=[
            pl.BlockSpec((128, H), lambda i: (i, 0)),
            vspec,
            pl.BlockSpec((128, 16), lambda i: (i, 0)),
        ],
        out_shape=[
            jax.ShapeDtypeStruct((NP_, H), f32),
            jax.ShapeDtypeStruct((NP_, 2), f32),
            jax.ShapeDtypeStruct((NP_, 16), f32),
        ],
    )(acci, acci, acci, acci, ddi, bi,
      accj, accj, accj, accj, ddj, bj, W12)


def _pooling(rep, sg, agg0, agg1, batch2, sb):
    def body(rep_r, sg_r, a0_r, a1_r, b2_r, sb_r, emb_r, wm_r):
        aggv = a0_r[...][:, 0] + a1_r[...][:, 0]
        sraw = sg_r[...][:, 0] + aggv + sb_r[0, 0]
        s2 = sraw.reshape(NBLK, 128)
        b2 = b2_r[...]
        neg = jnp.float32(-1e30)

        def mloop(g, mpick):
            mask = b2 == g
            mg = jnp.max(jnp.where(mask, s2, neg))
            mg = jnp.where(mg > -1e29, mg, 0.0)
            return mpick + jnp.where(mask, mg, 0.0)

        mpick = lax.fori_loop(0, G, mloop, jnp.zeros((NBLK, 128), f32))
        e2 = jnp.exp(s2 - mpick)

        def zloop(g, zpick):
            mask = b2 == g
            zg = jnp.sum(jnp.where(mask, e2, 0.0))
            return zpick + jnp.where(mask, zg, 0.0)

        zpick = lax.fori_loop(0, G, zloop, jnp.zeros((NBLK, 128), f32))
        score2 = e2 / (zpick + 1e-16)
        sflat = score2.reshape(1, NP_)
        bflat = b2.reshape(1, NP_)

        def wloop(g, _):
            wm_r[pl.ds(g, 1), :] = jnp.where(bflat == g, sflat, 0.0)
            return 0

        lax.fori_loop(0, G, wloop, 0)
        emb_r[...] = jnp.dot(wm_r[...], rep_r[...],
                             preferred_element_type=f32)

    def _f0(shape):
        return pl.BlockSpec(shape, lambda: (0,) * len(shape))

    return pl.pallas_call(
        body,
        in_specs=[
            _f0((NP_, H)), _f0((NP_, 2)), _f0((NP_, 16)), _f0((NP_, 16)),
            _f0((NBLK, 128)), _f0((1, 1)),
        ],
        out_specs=_f0((G, H)),
        out_shape=jax.ShapeDtypeStruct((G, H), f32),
        scratch_shapes=[pltpu.VMEM((G, NP_), f32)],
    )(rep, sg, agg0, agg1, batch2, sb)



def _shifts(bmax_s, bmax_d):
    ks = jnp.max(bmax_s)
    kd = jnp.max(bmax_d)
    bc = 0.4 * (ks + kd)
    return jnp.stack([ks, 0.2 * ks + bc, kd, 0.2 * kd + bc]).reshape(1, 4)


def _pad_rows(x):
    return jnp.pad(x, ((0, NP_ - N), (0, 0)))


def kernel(h_x, t_x, h_edge_index, t_edge_index, b_edge_index, h_batch,
           t_batch, lin0_W, lin0_b, conv_W, conv_as, conv_ad, conv_b,
           intra_W, intra_as, intra_ad, intra_b, inter_Ws, inter_Wd,
           inter_as, inter_ad, inter_b, sag_W1, sag_W2, sag_b):
    hx = _pad_rows(h_x)
    tx = _pad_rows(t_x)

    def _pad_edges(sv, dv):
        sp = jnp.concatenate([sv.astype(i32), jnp.zeros((EP - E,), i32)])
        dp = jnp.concatenate([dv.astype(i32),
                              jnp.full((EP - E,), NP_ - 1, i32)])
        return sp, dp

    h_src, h_dst = _pad_edges(h_edge_index[0], h_edge_index[1])
    t_src, t_dst = _pad_edges(t_edge_index[0], t_edge_index[1])
    b_src, b_dst = _pad_edges(b_edge_index[0], b_edge_index[1])
    b_srcr, b_dstr = _pad_edges(b_edge_index[1], b_edge_index[0])
    b0 = lin0_b.reshape(1, H)

    A_conv = jnp.stack([conv_as, conv_ad], axis=1)
    bias_conv = conv_b.reshape(1, H)

    def conv_prep(x):
        xp, sd, bm = _prep(x, lin0_W, b0, conv_W, A_conv)
        K = _shifts(bm[:, 0, 0], bm[:, 0, 1])
        tab, dd = _tables(xp, sd, K, H, 80)
        return tab, dd, sd

    tab_h, dd_h, sd_h = conv_prep(hx)
    tab_t, dd_t, sd_t = conv_prep(tx)
    def rows80(tab, sr, dr):
        return _sc_rows(tab.reshape(2, 2 * NP_, 80), sr.reshape(EP // 80, 80),
                        dr.reshape(EP // 80, 80), cols=80, routed=True)

    rh = _sc_route_multi(h_src, h_dst, sd_h[:, 0], sd_h[:, 1], nprob=1)
    accd_h = rows80(tab_h, rh[0], rh[1])
    rt = _sc_route_multi(t_src, t_dst, sd_t[:, 0], sd_t[:, 1], nprob=1)
    accd_t = rows80(tab_t, rt[0], rt[1])

    A_intra = jnp.stack([intra_as, intra_ad], axis=1)
    bias_intra = intra_b.reshape(1, HO)
    bias_inter = inter_b.reshape(1, HO)
    as1 = inter_as.reshape(HO, 1)
    ad1 = inter_ad.reshape(HO, 1)

    (xpi_h, sdi_h, bmi_h, xps_h, sdj_h, bmj_h) = _fuse2(
        accd_h, dd_h, bias_conv, intra_W, A_intra, inter_Ws, inter_Wd,
        as1, ad1)
    (xpi_t, sdi_t, bmi_t, xps_t, sdj_t, bmj_t) = _fuse2(
        accd_t, dd_t, bias_conv, intra_W, A_intra, inter_Ws, inter_Wd,
        as1, ad1)

    Ki_h = _shifts(bmi_h[:, 0, 0], bmi_h[:, 0, 1])
    Ki_t = _shifts(bmi_t[:, 0, 0], bmi_t[:, 0, 1])
    ks_h = jnp.max(bmj_h[:, 0, 0]); kd_h = jnp.max(bmj_h[:, 0, 1])
    ks_t = jnp.max(bmj_t[:, 0, 0]); kd_t = jnp.max(bmj_t[:, 0, 1])
    Kj_h = jnp.stack([ks_h, 0.2 * ks_h + 0.4 * (ks_h + kd_t),
                      kd_h, 0.2 * kd_h + 0.4 * (ks_t + kd_h)]).reshape(1, 4)
    Kj_t = jnp.stack([ks_t, 0.2 * ks_t + 0.4 * (ks_t + kd_h),
                      kd_t, 0.2 * kd_t + 0.4 * (ks_h + kd_t)]).reshape(1, 4)

    tabi_h, ddi_h, tabj_h, ddj_h = _tables2(xpi_h, sdi_h, Ki_h,
                                            xps_h, sdj_h, Kj_h)
    tabi_t, ddi_t, tabj_t, ddj_t = _tables2(xpi_t, sdi_t, Ki_t,
                                            xps_t, sdj_t, Kj_t)

    def rows48(tab, sr, dr):
        return _sc_rows(tab.reshape(2, 2 * NP_, 48), sr.reshape(EP // 80, 80),
                        dr.reshape(EP // 80, 80), cols=48, routed=True)

    def route1(sv, dv, s_vec, d_vec):
        return _sc_route_multi(sv, dv, s_vec, d_vec, nprob=1)

    r_ih = route1(h_src, h_dst, sdi_h[:, 0], sdi_h[:, 1])
    acc_ih = rows48(tabi_h, r_ih[0], r_ih[1])
    r_it = route1(t_src, t_dst, sdi_t[:, 0], sdi_t[:, 1])
    acc_it = rows48(tabi_t, r_it[0], r_it[1])
    r_jt = route1(b_src, b_dst, sdj_h[:, 0], sdj_t[:, 1])
    acc_jt = rows48(tabj_h, r_jt[0], r_jt[1])
    r_jh = route1(b_srcr, b_dstr, sdj_t[:, 0], sdj_h[:, 1])
    acc_jh = rows48(tabj_t, r_jh[0], r_jh[1])

    W12 = jnp.concatenate([sag_W1, sag_W2], axis=1)
    h_rep_p, sg_h, tab16_h = _combine2sag(acc_ih, ddi_h, bias_intra,
                                          acc_jh, ddj_h, bias_inter, W12)
    t_rep_p, sg_t, tab16_t = _combine2sag(acc_it, ddi_t, bias_intra,
                                          acc_jt, ddj_t, bias_inter, W12)

    sbv = sag_b.reshape(1, 1)

    def pool_stage(rep_p, sg, tab16, src, dst, batch):
        aggd = _sc_rows(tab16[None], src.reshape(EP // 80, 80),
                        dst.reshape(EP // 80, 80), cols=16, routed=False)
        b2 = jnp.pad(batch.astype(i32), (0, NP_ - N),
                     constant_values=G).reshape(NBLK, 128)
        return _pooling(rep_p, sg, aggd[0:NP_], aggd[NP_:2 * NP_], b2, sbv)

    h_emb = pool_stage(h_rep_p, sg_h, tab16_h, h_src, h_dst, h_batch)
    t_emb = pool_stage(t_rep_p, sg_t, tab16_t, t_src, t_dst, t_batch)

    return (h_rep_p[:N], t_rep_p[:N], h_emb, t_emb)

# --- scband reference (transcript-rebuilt; emitter-appended) ---
"""Pipeline reference for scband-gat-51161650430432 (READ-ONLY COPY).

The authoritative reference and input builder live on the scoring server;
editing this copy changes nothing except your own understanding.
"""

import jax, jax.numpy as jnp
import numpy as np

N = 10000
E = 320000
D = 128
H = 128
HO = 64
G = 64

def edge_softmax(logits, dst, num_nodes):
    m = jax.ops.segment_max(logits, dst, num_segments=num_nodes)
    m = jnp.where(jnp.isfinite(m), m, 0.0)
    e = jnp.exp(logits - m[dst])
    s = jax.ops.segment_sum(e, dst, num_segments=num_nodes)
    return e / (s[dst] + 1e-16)

def gat_conv(x, ei, W, att_s, att_d, b):
    xp = x @ W
    src, dst = ei[0], ei[1]
    a = jax.nn.leaky_relu(xp[src] @ att_s + xp[dst] @ att_d, negative_slope=0.2)
    alpha = edge_softmax(a, dst, x.shape[0])
    return jax.ops.segment_sum(xp[src] * alpha[:, None], dst, num_segments=x.shape[0]) + b

def gat_conv_bi(xs, xd, ei, Ws, Wd, att_s, att_d, b):
    xps = xs @ Ws
    xpd = xd @ Wd
    src, dst = ei[0], ei[1]
    a = jax.nn.leaky_relu(xps[src] @ att_s + xpd[dst] @ att_d, negative_slope=0.2)
    alpha = edge_softmax(a, dst, xd.shape[0])
    return jax.ops.segment_sum(xps[src] * alpha[:, None], dst, num_segments=xd.shape[0]) + b

def graph_conv_score(x, ei, W1, W2, b):
    src, dst = ei[0], ei[1]
    agg = jax.ops.segment_sum((x @ W2)[src], dst, num_segments=x.shape[0])
    return (x @ W1 + agg + b)[:, 0]

def segment_softmax(s, seg, num_segments):
    m = jax.ops.segment_max(s, seg, num_segments=num_segments)
    m = jnp.where(jnp.isfinite(m), m, 0.0)
    e = jnp.exp(s - m[seg])
    z = jax.ops.segment_sum(e, seg, num_segments=num_segments)
    return e / (z[seg] + 1e-16)

def setup_inputs(seed: int = 0) -> dict:
    key = jax.random.key(seed)
    ks = jax.random.split(key, 32)
    inp = {}
    inp['h_x'] = jax.random.normal(ks[0], (N, D), dtype=jnp.float32)
    inp['t_x'] = jax.random.normal(ks[1], (N, D), dtype=jnp.float32)
    inp['h_edge_index'] = jax.random.randint(ks[2], (2, E), 0, N, dtype=jnp.int64) if jax.config.jax_enable_x64 else jax.random.randint(ks[2], (2, E), 0, N).astype(jnp.int32)
    inp['t_edge_index'] = jax.random.randint(ks[3], (2, E), 0, N).astype(inp['h_edge_index'].dtype)
    inp['b_edge_index'] = jax.random.randint(ks[4], (2, E), 0, N).astype(inp['h_edge_index'].dtype)
    inp['h_batch'] = jnp.sort(jax.random.randint(ks[5], (N,), 0, G)).astype(inp['h_edge_index'].dtype)
    inp['t_batch'] = jnp.sort(jax.random.randint(ks[6], (N,), 0, G)).astype(inp['h_edge_index'].dtype)
    s_d = 1.0 / np.sqrt(D)
    s_h = 1.0 / np.sqrt(H)
    inp['lin0_W'] = jax.random.normal(ks[7], (D, H), dtype=jnp.float32) * s_d
    inp['lin0_b'] = jnp.zeros((H,), dtype=jnp.float32)
    inp['conv_W'] = jax.random.normal(ks[8], (H, H), dtype=jnp.float32) * s_h
    inp['conv_as'] = jax.random.normal(ks[9], (H,), dtype=jnp.float32) * s_h
    inp['conv_ad'] = jax.random.normal(ks[10], (H,), dtype=jnp.float32) * s_h
    inp['conv_b'] = jnp.zeros((H,), dtype=jnp.float32)
    inp['intra_W'] = jax.random.normal(ks[11], (H, HO), dtype=jnp.float32) * s_h
    inp['intra_as'] = jax.random.normal(ks[12], (HO,), dtype=jnp.float32) * (1.0 / np.sqrt(HO))
    inp['intra_ad'] = jax.random.normal(ks[13], (HO,), dtype=jnp.float32) * (1.0 / np.sqrt(HO))
    inp['intra_b'] = jnp.zeros((HO,), dtype=jnp.float32)
    inp['inter_Ws'] = jax.random.normal(ks[14], (H, HO), dtype=jnp.float32) * s_h
    inp['inter_Wd'] = jax.random.normal(ks[15], (H, HO), dtype=jnp.float32) * s_h
    inp['inter_as'] = jax.random.normal(ks[16], (HO,), dtype=jnp.float32) * (1.0 / np.sqrt(HO))
    inp['inter_ad'] = jax.random.normal(ks[17], (HO,), dtype=jnp.float32) * (1.0 / np.sqrt(HO))
    inp['inter_b'] = jnp.zeros((HO,), dtype=jnp.float32)
    inp['sag_W1'] = jax.random.normal(ks[18], (H, 1), dtype=jnp.float32) * s_h
    inp['sag_W2'] = jax.random.normal(ks[19], (H, 1), dtype=jnp.float32) * s_h
    inp['sag_b'] = jnp.zeros((1,), dtype=jnp.float32)
    return inp

def reference(h_x, t_x, h_edge_index, t_edge_index, b_edge_index, h_batch, t_batch, lin0_W, lin0_b, conv_W, conv_as, conv_ad, conv_b, intra_W, intra_as, intra_ad, intra_b, inter_Ws, inter_Wd, inter_as, inter_ad, inter_b, sag_W1, sag_W2, sag_b):
    hx = h_x @ lin0_W + lin0_b
    tx = t_x @ lin0_W + lin0_b
    hx = jax.nn.relu(gat_conv(hx, h_edge_index, conv_W, conv_as, conv_ad, conv_b))
    tx = jax.nn.relu(gat_conv(tx, t_edge_index, conv_W, conv_as, conv_ad, conv_b))
    h_intra = gat_conv(jax.nn.elu(hx), h_edge_index, intra_W, intra_as, intra_ad, intra_b)
    t_intra = gat_conv(jax.nn.elu(tx), t_edge_index, intra_W, intra_as, intra_ad, intra_b)
    hin = jax.nn.elu(hx)
    tin = jax.nn.elu(tx)
    t_inter = gat_conv_bi(hin, tin, b_edge_index, inter_Ws, inter_Wd, inter_as, inter_ad, inter_b)
    b_rev = jnp.stack([b_edge_index[1], b_edge_index[0]])
    h_inter = gat_conv_bi(tin, hin, b_rev, inter_Ws, inter_Wd, inter_as, inter_ad, inter_b)
    h_rep = jnp.concatenate([h_intra, h_inter], axis=1)
    t_rep = jnp.concatenate([t_intra, t_inter], axis=1)
    h_score = segment_softmax(graph_conv_score(h_rep, h_edge_index, sag_W1, sag_W2, sag_b), h_batch, G)
    t_score = segment_softmax(graph_conv_score(t_rep, t_edge_index, sag_W1, sag_W2, sag_b), t_batch, G)
    h_att_x = h_rep * h_score[:, None]
    t_att_x = t_rep * t_score[:, None]
    h_emb = jax.ops.segment_sum(h_att_x, h_batch, num_segments=G)
    t_emb = jax.ops.segment_sum(t_att_x, t_batch, num_segments=G)
    return (h_rep, t_rep, h_emb, t_emb)

if __name__ == "__main__":
    import jax
    _d = setup_inputs()
    print(jax.jit(kernel)(*tuple(_d.values())))

</pallas_src>

<mosaic_0001>
#map = affine_map<(d0, d1) -> (0)>
module attributes {stable_mosaic.version = 14 : i64} {
  func.func @body(%arg0: i32, %arg1: i32, %arg2: memref<320000xi32, #tpu.memory_space<hbm>>, %arg3: memref<320000xi32, #tpu.memory_space<hbm>>, %arg4: memref<10240xf32, #tpu.memory_space<hbm>>, %arg5: memref<10240xf32, #tpu.memory_space<hbm>>, %arg6: memref<320000xi32, #tpu.memory_space<hbm>>, %arg7: memref<320000xi32, #tpu.memory_space<hbm>>, %arg8: memref<10240xf32, #tpu.memory_space<vmem>>, %arg9: memref<10240xf32, #tpu.memory_space<vmem>>, %arg10: memref<10000xi32, #tpu.memory_space<vmem>>, %arg11: memref<10000xi32, #tpu.memory_space<vmem>>, %arg12: memref<10000xi32, #tpu.memory_space<vmem>>, %arg13: memref<10000xi32, #tpu.memory_space<vmem>>) attributes {dimension_semantics = [#tpu.dimension_semantics<core_parallel>, #tpu.dimension_semantics<subcore_parallel>], iteration_bounds = array<i64: 2, 16>, scalar_prefetch = 0 : i64, scratch_operands = 6 : i64, tpu.core_type = #tpu.core_type<sc_vector_subcore>, window_params = [{transform_indices = #map}, {transform_indices = #map}, {transform_indices = #map}, {transform_indices = #map}, {transform_indices = #map}, {transform_indices = #map}]} {
    %mul3A = arith.constant 16 : i32
    %mul3A_0 = arith.muli %arg0, %mul3A : i32
    %add3A = arith.addi %mul3A_0, %arg1 : i32
    %broadcast_in_dim3A = arith.constant 0 : i32
    %broadcast_in_dim3A_1 = vector.broadcast %broadcast_in_dim3A : i32 to vector<16xi32>
    %broadcast_in_dim3A_2 = arith.constant 10240 : i32
    %broadcast_in_dim3A_3 = vector.broadcast %broadcast_in_dim3A_2 : i32 to vector<16xi32>
    "tpu.region"() ({
      %run_scoped3A = tpu.sem_alloc : memref<!tpu.dma_semaphore, #tpu.memory_space<semaphore_mem>>
      tpu.enqueue_dma source(%arg4 : memref<10240xf32, #tpu.memory_space<hbm>>) target(%arg8 : memref<10240xf32, #tpu.memory_space<vmem>>) target_semaphore(%run_scoped3A : memref<!tpu.dma_semaphore, #tpu.memory_space<semaphore_mem>>)
      tpu.wait_dma2 semaphore(%run_scoped3A : memref<!tpu.dma_semaphore, #tpu.memory_space<semaphore_mem>>) src(%arg4 : memref<10240xf32, #tpu.memory_space<hbm>>) dst(%arg8 : memref<10240xf32, #tpu.memory_space<vmem>>)
      tpu.yield
    }) : () -> ()
    "tpu.region"() ({
      %run_scoped3A = tpu.sem_alloc : memref<!tpu.dma_semaphore, #tpu.memory_space<semaphore_mem>>
      tpu.enqueue_dma source(%arg5 : memref<10240xf32, #tpu.memory_space<hbm>>) target(%arg9 : memref<10240xf32, #tpu.memory_space<vmem>>) target_semaphore(%run_scoped3A : memref<!tpu.dma_semaphore, #tpu.memory_space<semaphore_mem>>)
      tpu.wait_dma2 semaphore(%run_scoped3A : memref<!tpu.dma_semaphore, #tpu.memory_space<semaphore_mem>>) src(%arg5 : memref<10240xf32, #tpu.memory_space<hbm>>) dst(%arg9 : memref<10240xf32, #tpu.memory_space<vmem>>)
      tpu.yield
    }) : () -> ()
    %mul3A_4 = arith.constant 10000 : i32
    %mul3A_5 = arith.muli %add3A, %mul3A_4 : i32
    "tpu.region"() ({
      %run_scoped3A = tpu.sem_alloc : memref<!tpu.dma_semaphore, #tpu.memory_space<semaphore_mem>>
      %dma_start3A = tpu.memref_slice %arg2[%mul3A_5] : memref<320000xi32, #tpu.memory_space<hbm>> -> memref<10000xi32, #tpu.memory_space<hbm>>
      %dma_start3A_18 = tpu.memref_slice %arg2[%mul3A_5] : memref<320000xi32, #tpu.memory_space<hbm>> -> memref<10000xi32, #tpu.memory_space<hbm>>
      tpu.enqueue_dma source(%dma_start3A_18 : memref<10000xi32, #tpu.memory_space<hbm>>) target(%arg10 : memref<10000xi32, #tpu.memory_space<vmem>>) target_semaphore(%run_scoped3A : memref<!tpu.dma_semaphore, #tpu.memory_space<semaphore_mem>>)
      %dma_wait3A = tpu.memref_slice %arg2[%mul3A_5] : memref<320000xi32, #tpu.memory_space<hbm>> -> memref<10000xi32, #tpu.memory_space<hbm>>
      %dma_wait3A_19 = tpu.memref_slice %arg2[%mul3A_5] : memref<320000xi32, #tpu.memory_space<hbm>> -> memref<10000xi32, #tpu.memory_space<hbm>>
      tpu.wait_dma2 semaphore(%run_scoped3A : memref<!tpu.dma_semaphore, #tpu.memory_space<semaphore_mem>>) src(%dma_wait3A_19 : memref<10000xi32, #tpu.memory_space<hbm>>) dst(%arg10 : memref<10000xi32, #tpu.memory_space<vmem>>)
      tpu.yield
    }) : () -> ()
    %mul3A_6 = arith.constant 10000 : i32
    %mul3A_7 = arith.muli %add3A, %mul3A_6 : i32
    "tpu.region"() ({
      %run_scoped3A = tpu.sem_alloc : memref<!tpu.dma_semaphore, #tpu.memory_space<semaphore_mem>>
      %dma_start3A = tpu.memref_slice %arg3[%mul3A_7] : memref<320000xi32, #tpu.memory_space<hbm>> -> memref<10000xi32, #tpu.memory_space<hbm>>
      %dma_start3A_18 = tpu.memref_slice %arg3[%mul3A_7] : memref<320000xi32, #tpu.memory_space<hbm>> -> memref<10000xi32, #tpu.memory_space<hbm>>
      tpu.enqueue_dma source(%dma_start3A_18 : memref<10000xi32, #tpu.memory_space<hbm>>) target(%arg11 : memref<10000xi32, #tpu.memory_space<vmem>>) target_semaphore(%run_scoped3A : memref<!tpu.dma_semaphore, #tpu.memory_space<semaphore_mem>>)
      %dma_wait3A = tpu.memref_slice %arg3[%mul3A_7] : memref<320000xi32, #tpu.memory_space<hbm>> -> memref<10000xi32, #tpu.memory_space<hbm>>
      %dma_wait3A_19 = tpu.memref_slice %arg3[%mul3A_7] : memref<320000xi32, #tpu.memory_space<hbm>> -> memref<10000xi32, #tpu.memory_space<hbm>>
      tpu.wait_dma2 semaphore(%run_scoped3A : memref<!tpu.dma_semaphore, #tpu.memory_space<semaphore_mem>>) src(%dma_wait3A_19 : memref<10000xi32, #tpu.memory_space<hbm>>) dst(%arg11 : memref<10000xi32, #tpu.memory_space<vmem>>)
      tpu.yield
    }) : () -> ()
    %scan3A = arith.constant 0 : i32
    %scan3A_8 = arith.constant 0 : i32
    %scan3A_9 = arith.constant 625 : i32
    %scan3A_10 = arith.addi %scan3A_8, %scan3A_9 : i32
    %scan3A_11 = arith.constant 1 : i32
    %scan3A_12 = scf.for %scan3A_18 = %scan3A_8 to %scan3A_10 step %scan3A_11 iter_args(%scan3A_19 = %scan3A) -> (i32)  : i32 {
      %mul3A_20 = arith.constant 16 : i32
      %mul3A_21 = arith.muli %scan3A_18, %mul3A_20 : i32
      %get3A = arith.index_cast %mul3A_21 : i32 to index
      %get3A_22 = tpu.vector_load %arg10[%get3A] {strides = array<i32>} : memref<10000xi32, #tpu.memory_space<vmem>>, vector<16xi32>,
      %get3A_23 = arith.index_cast %mul3A_21 : i32 to index
      %get3A_24 = tpu.vector_load %arg11[%get3A_23] {strides = array<i32>} : memref<10000xi32, #tpu.memory_space<vmem>>, vector<16xi32>,
      %gather3A = tpu.vector_load_idx %arg8[%get3A_22] : memref<10240xf32, #tpu.memory_space<vmem>>[vector<16xi32>], vector<16xf32>,
      %gather3A_25 = tpu.vector_load_idx %arg9[%get3A_24] : memref<10240xf32, #tpu.memory_space<vmem>>[vector<16xi32>], vector<16xf32>,
      %add3A_26 = arith.addf %gather3A, %gather3A_25 : vector<16xf32>
      %gt3A = arith.constant 0.000000e+00 : f32
      %gt3A_27 = vector.broadcast %gt3A : f32 to vector<16xf32>
      %gt3A_28 = arith.cmpf ogt, %add3A_26, %gt3A_27 : vector<16xf32>
      %select_n3A = arith.select %gt3A_28, %broadcast_in_dim3A_1, %broadcast_in_dim3A_3 : vector<16xi1>, vector<16xi32>
      %add3A_29 = arith.addi %get3A_22, %select_n3A : vector<16xi32>
      %swap3A = arith.index_cast %mul3A_21 : i32 to index
      %swap3A_30 = tpu.vector_load %arg12[%swap3A] {strides = array<i32>} : memref<10000xi32, #tpu.memory_space<vmem>>, vector<16xi32>,
      tpu.vector_store %arg12[%swap3A], %add3A_29 {strides = array<i32>} : memref<10000xi32, #tpu.memory_space<vmem>>, vector<16xi32>,
      %add3A_31 = arith.addi %get3A_24, %select_n3A : vector<16xi32>
      %swap3A_32 = arith.index_cast %mul3A_21 : i32 to index
      %swap3A_33 = tpu.vector_load %arg13[%swap3A_32] {strides = array<i32>} : memref<10000xi32, #tpu.memory_space<vmem>>, vector<16xi32>,
      tpu.vector_store %arg13[%swap3A_32], %add3A_31 {strides = array<i32>} : memref<10000xi32, #tpu.memory_space<vmem>>, vector<16xi32>,
      %scan3A_34 = arith.constant 0 : i32
      scf.yield %scan3A_34 : i32
    }
    %scan3A_13 = arith.constant 625 : i32
    %mul3A_14 = arith.constant 10000 : i32
    %mul3A_15 = arith.muli %add3A, %mul3A_14 : i32
    "tpu.region"() ({
      %run_scoped3A = tpu.sem_alloc : memref<!tpu.dma_semaphore, #tpu.memory_space<semaphore_mem>>
      %dma_start3A = tpu.memref_slice %arg6[%mul3A_15] : memref<320000xi32, #tpu.memory_space<hbm>> -> memref<10000xi32, #tpu.memory_space<hbm>>
      %dma_start3A_18 = tpu.memref_slice %arg6[%mul3A_15] : memref<320000xi32, #tpu.memory_space<hbm>> -> memref<10000xi32, #tpu.memory_space<hbm>>
      tpu.enqueue_dma source(%arg12 : memref<10000xi32, #tpu.memory_space<vmem>>) target(%dma_start3A_18 : memref<10000xi32, #tpu.memory_space<hbm>>) target_semaphore(%run_scoped3A : memref<!tpu.dma_semaphore, #tpu.memory_space<semaphore_mem>>)
      %dma_wait3A = tpu.memref_slice %arg6[%mul3A_15] : memref<320000xi32, #tpu.memory_space<hbm>> -> memref<10000xi32, #tpu.memory_space<hbm>>
      %dma_wait3A_19 = tpu.memref_slice %arg6[%mul3A_15] : memref<320000xi32, #tpu.memory_space<hbm>> -> memref<10000xi32, #tpu.memory_space<hbm>>
      tpu.wait_dma2 semaphore(%run_scoped3A : memref<!tpu.dma_semaphore, #tpu.memory_space<semaphore_mem>>) src(%arg12 : memref<10000xi32, #tpu.memory_space<vmem>>) dst(%dma_wait3A_19 : memref<10000xi32, #tpu.memory_space<hbm>>)
      tpu.yield
    }) : () -> ()
    %mul3A_16 = arith.constant 10000 : i32
    %mul3A_17 = arith.muli %add3A, %mul3A_16 : i32
    "tpu.region"() ({
      %run_scoped3A = tpu.sem_alloc : memref<!tpu.dma_semaphore, #tpu.memory_space<semaphore_mem>>
      %dma_start3A = tpu.memref_slice %arg7[%mul3A_17] : memref<320000xi32, #tpu.memory_space<hbm>> -> memref<10000xi32, #tpu.memory_space<hbm>>
      %dma_start3A_18 = tpu.memref_slice %arg7[%mul3A_17] : memref<320000xi32, #tpu.memory_space<hbm>> -> memref<10000xi32, #tpu.memory_space<hbm>>
      tpu.enqueue_dma source(%arg13 : memref<10000xi32, #tpu.memory_space<vmem>>) target(%dma_start3A_18 : memref<10000xi32, #tpu.memory_space<hbm>>) target_semaphore(%run_scoped3A : memref<!tpu.dma_semaphore, #tpu.memory_space<semaphore_mem>>)
      %dma_wait3A = tpu.memref_slice %arg7[%mul3A_17] : memref<320000xi32, #tpu.memory_space<hbm>> -> memref<10000xi32, #tpu.memory_space<hbm>>
      %dma_wait3A_19 = tpu.memref_slice %arg7[%mul3A_17] : memref<320000xi32, #tpu.memory_space<hbm>> -> memref<10000xi32, #tpu.memory_space<hbm>>
      tpu.wait_dma2 semaphore(%run_scoped3A : memref<!tpu.dma_semaphore, #tpu.memory_space<semaphore_mem>>) src(%arg13 : memref<10000xi32, #tpu.memory_space<vmem>>) dst(%dma_wait3A_19 : memref<10000xi32, #tpu.memory_space<hbm>>)
      tpu.yield
    }) : () -> ()
    return
  }
}

</mosaic_0001>

<sc_bundles>
// kernel: _sc_route_multi.3.cloned.1.call-start
scs
__scs_entry_jumppad:
0x0: {  	(pc) =	sbr.rel $0x88, $3  }
0x1: {  	(tag) =	ssettag $0x0;
	lr =	simm.s32 $0x1  }
0x2: {  	[smem:$0x3F9D] =	sst lr;
	_ =	strace $0xD0000000  }
0x3: {  	_ = 	snop  }
0x4: {  	_ = 	snop  }
0x5: {  	_ = 	snop  }
0x6: {  	_ = 	snop  }
0x7: {  	_ = 	snop  }
__scs_overlays_trampoline_lowered:
0x8: {  	[smem:$0x3FAC] =	sst s0  }
0x9: {  	[smem:$0x3FAD] =	sst s1  }
0xa: {  	[smem:$0x3FAE] =	sst s2  }
0xb: {  	[smem:$0x3FAF] =	sst s3  }
0xc: {  	[smem:$0x3FB0] =	sst s4  }
0xd: {  	[smem:$0x3FB1] =	sst s5  }
0xe: {  	[smem:$0x3FB2] =	sst s6  }
0xf: {  	[smem:$0x3FB3] =	sst s7  }
0x10: {  	[smem:$0x3FB4] =	sst s8  }
0x11: {  	[smem:$0x3FB5] =	sst s9;
	s0 =	simm.s32 @!p0 $0x0  }
0x12: {  	s1 =	sld [smem:$0x3F9B];
	s0 =	simm.s32 @p0 $0x1  }
0x13: {  	[smem:$0x3FB6] =	sst s0;
	s0 =	simm.s32 @!p1 $0x0  }
0x14: {  	s2 =	sld [smem:$0x3F9A];
	s0 =	simm.s32 @p1 $0x1  }
0x15: {  	[smem:$0x3FB7] =	sst s0;
	s0 =	simm.s32 @!p2 $0x0  }
0x16: {  	s3 =	sld [smem:$0x3FDB];
	s0 =	simm.s32 @p2 $0x1  }
0x17: {  	s4 =	simm.s32 $0x1BF5;
	[smem:$0x3FB9] =	sst s0  }
0x18: {  	s0 =	sld [smem:$0x3F9C];
	_ =	swait.ge [sflag:s4], $0x0  }
0x19: {  	s7 =	sld [smem:$0x3F9D]  }
0x1a: {  	s8 =	sadd.s32 $0xFFFFE003, lr  }
0x1b: {  	s9 =	sadd.s32 $0xFFFFFEF7, lr;
	s5 =	simm.s32 $0xFFFFFFFF;
	p2 =	slt.u32 s8, $0xFFFFF086  }
0x1c: {  	p1 =	slt.u32 s9, $0xF7A;
	s5 =	simm.s32 @!p2 $0x0  }
0x1d: {  	s5 =	simm.s32 @p1 $0x1;
	p0 =	seq.s32 s7, s2  }
0x1e: {  	s7 =	smul.u32 @!p0 $0xF7A, s2;
	p2 =	seq.s32 @!p0 s5, $0x0  }
0x1f: {  	s9 =	smul.u32 $0xF7A, s1;
	s8 =	simm.s32 @!p0 $0x1BF5;
	p2 =	por !p2, p0  }
0x20: {  	[sflag:s8] =	ssyncset.s32 @!p0 $0xFFFFF086;
	s6 =	sadd.s32 @!p0 s3, s7;
	s7 =	simm.s32 @!p0 $0x108  }
0x21: {  	s3 =	sadd.s32 s3, s9;
	s6 =	sadd.s32 @!p0 $0x88, s6;
	s7 =	simm.s32 @p2 $0x1082  }
0x22: {  	[simem:s7], [sflag:s8] =	dma.local @!p0 [hbm:s6], $0xF7A  }
0x23: {  	s9 =	sor.u32 $0xD0000000, s2;
	s6 =	simm.s32 $0x108;
	_ =	swait.ge @!p0 [sflag:s8], $0x0  }
0x24: {  	s3 =	sadd.s32 $0x88, s3;
	s6 =	simm.s32 @!p1 $0x1082;
	[sflag:s4] =	ssyncset.s32 $0xFFFFF086  }
0x25: {  	[simem:s6], [sflag:s4] =	dma.local [hbm:s3], $0xF7A  }
0x26: {  	[smem:$0x3F9D] =	sst s1;
	(tag) =	ssettag s2;
	_ =	strace s9  }
0x27: {  	s1 =	sld [smem:$0x3FAD]  }
0x28: {  	s2 =	sld [smem:$0x3FAE]  }
0x29: {  	s4 =	sld [smem:$0x3FB0]  }
0x2a: {  	p0 =	seq.s32 s5, $0x0;
	s5 =	sld [smem:$0x3FB1]  }
0x2b: {  	s6 =	sld [smem:$0x3FB2]  }
0x2c: {  	s7 =	sld [smem:$0x3FB3]  }
0x2d: {  	s3 =	simm.s32 $0x108;
	s8 =	sld [smem:$0x3FB4]  }
0x2e: {  	s3 =	simm.s32 @!p0 $0x1082;
	s9 =	sld [smem:$0x3FB5]  }
0x2f: {  	lr =	sadd.s32 s0, s3;
	s0 =	sld [smem:$0x3FAC]  }
0x30: {  	s3 =	sld [smem:$0x3FAF]  }
0x31: {  	[smem:$0x3FB8] =	sst s10  }
0x32: {  	s10 =	sld [smem:$0x3FB6];
	_ =	sdelay $0x3  }
0x33: {  	p0 =	seq.s32 s10, $0x1;
	s10 =	sld [smem:$0x3FB8];
	_ =	sdelay $0x3  }
0x34: {  	[smem:$0x3FB8] =	sst s10  }
0x35: {  	s10 =	sld [smem:$0x3FB7];
	_ =	sdelay $0x3  }
0x36: {  	p1 =	seq.s32 s10, $0x1;
	s10 =	sld [smem:$0x3FB8];
	_ =	sdelay $0x3  }
0x37: {  	[smem:$0x3FB8] =	sst s10  }
0x38: {  	s10 =	sld [smem:$0x3FB9]  }
0x39: {  	_ = 	snop;
	(pc) =	sbr.ind lr, $3  }
0x3a: {  	_ = 	snop  }
0x3b: {  	_ = 	snop  }
0x3c: {  	p2 =	seq.s32 s10, $0x1;
	s10 =	sld [smem:$0x3FB8]  }
0x3d: {  	_ =	shalt  }
0x3e: {  	_ =	shalt  }
0x3f: {  	_ =	shalt  }
0x40: {  	_ =	shalt  }
0x41: {  	_ =	shalt  }
0x42: {  	_ =	shalt  }
0x43: {  	_ =	shalt  }
0x44: {  	_ =	shalt  }
0x45: {  	_ =	shalt  }
0x46: {  	_ =	shalt  }
0x47: {  	_ =	shalt  }
0x48: {  	_ =	shalt  }
0x49: {  	_ =	shalt  }
0x4a: {  	_ =	shalt  }
0x4b: {  	_ =	shalt  }
0x4c: {  	_ =	shalt  }
0x4d: {  	_ =	shalt  }
0x4e: {  	_ =	shalt  }
0x4f: {  	_ =	shalt  }
0x50: {  	_ =	shalt  }
0x51: {  	_ =	shalt  }
0x52: {  	_ =	shalt  }
0x53: {  	_ =	shalt  }
0x54: {  	_ =	shalt  }
0x55: {  	_ =	shalt  }
0x56: {  	_ =	shalt  }
0x57: {  	_ =	shalt  }
0x58: {  	_ =	shalt  }
0x59: {  	_ =	shalt  }
0x5a: {  	_ =	shalt  }
0x5b: {  	_ =	shalt  }
0x5c: {  	_ =	shalt  }
0x5d: {  	_ =	shalt  }
0x5e: {  	_ =	shalt  }
0x5f: {  	_ =	shalt  }
0x60: {  	_ =	shalt  }
0x61: {  	_ =	shalt  }
0x62: {  	_ =	shalt  }
0x63: {  	_ =	shalt  }
0x64: {  	_ =	shalt  }
0x65: {  	_ =	shalt  }
0x66: {  	_ =	shalt  }
0x67: {  	_ =	shalt  }
0x68: {  	_ =	shalt  }
0x69: {  	_ =	shalt  }
0x6a: {  	_ =	shalt  }
0x6b: {  	_ =	shalt  }
0x6c: {  	_ =	shalt  }
0x6d: {  	_ =	shalt  }
0x6e: {  	_ =	shalt  }
0x6f: {  	_ =	shalt  }
0x70: {  	_ =	shalt  }
0x71: {  	_ =	shalt  }
0x72: {  	_ =	shalt  }
0x73: {  	_ =	shalt  }
0x74: {  	_ =	shalt  }
0x75: {  	_ =	shalt  }
0x76: {  	_ =	shalt  }
0x77: {  	_ =	shalt  }
0x78: {  	_ =	shalt  }
0x79: {  	_ =	shalt  }
0x7a: {  	_ =	shalt  }
0x7b: {  	_ =	shalt  }
0x7c: {  	_ =	shalt  }
0x7d: {  	_ =	shalt  }
0x7e: {  	_ =	shalt  }
0x7f: {  	_ =	shalt  }
0x80: {  	_ =	shalt  }
0x81: {  	_ =	shalt  }
0x82: {  	_ =	shalt  }
0x83: {  	_ =	shalt  }
0x84: {  	_ =	shalt  }
0x85: {  	_ =	shalt  }
0x86: {  	_ =	shalt  }
0x87: {  	_ =	shalt  }
.Lfunc_end0:
.L_simem_size_0:
called_computation_lowered:
.L_overlay_start_0:
0x88: {  	s2 =	sld [smem:$0x3FD9]  }
0x89: {  	s3 =	sld [smem:$0x3FFE];
	_ =	sdelay $0x1  }
0x8a: {  	s1 =	srdreg.scid  }
0x8b: {  	s0 =	sand.u32 $0x1, s1  }
0x8c: {  	s15 =	sshll.u32 s0, $0xA;
	s2 =	sadd.s32 s3, s2  }
0x8d: {  	s2 =	sadd.s32 s2, s15  }
0x8e: {  	[smem:$0x3FC4] =	sst s2  }
0x8f: {  	_ = 	snop  }
0x90: {  	s2 =	sld [smem:$0x3FC9]  }
0x91: {  	s16 =	sld [smem:$0x3FD0]  }
0x92: {  	s4 =	sld [smem:$0x3FC8]  }
0x93: {  	s5 =	sld [smem:$0x3FC7]  }
0x94: {  	s7 =	simm.s32 $0xA;
	s8 =	simm.s32 $0x10;
	s6 =	sld [smem:$0x3FC6]  }
0x95: {  	[smem:s8], [sflag:s7] =	dma.local [hbm:s16], $0x1  }
0x96: {  	_ =	swait.eq [sflag:s7], $0x1  }
0x97: {  	[sflag:s7] =	ssyncset.done $0x0  }
0x98: {  	s17 =	sld [smem:$0x10];
	[sflag:s7] =	ssyncadd.s32 $0xFFFFFFFF  }
0x99: {  	s18 =	sld [smem:$0x11];
	(tm) =	ssettm $0x1  }
0x9a: {  	s19 =	sld [smem:$0x3FFB];
	_ =	sdelay $0x3  }
0x9b: {  	_ =	strace s19  }
0x9c: {  	s8 =	sld [smem:$0x3FFC];
	_ =	sdelay $0x3  }
0x9d: {  	_ =	strace s8  }
0x9e: {  	s8 =	sld [smem:$0x3FFD];
	_ =	sdelay $0x3  }
0x9f: {  	_ =	strace s8  }
0xa0: {  	_ =	strace $0x8FFFFFFF  }
0xa1: {  	s20 =	sld [smem:$0x3FDB];
	_ =	sdelay $0x1  }
0xa2: {  	s9 =	simm.s32 $_scs_section_size  }
0xa3: {  	s10 =	simm.s32 $_size__tile_overlayer_lowered;
	s11 =	simm.s32 $_tile_overlayer_lowered  }
0xa4: {  	s23 =	simm.s32 $0x1BFF;
	s22 =	sshll.u32 s11, $0x1;
	s8 =	sadd.s32 s9, s20  }
0xa5: {  	s12 =	simm.s32 $0x0;
	s21 =	sshll.u32 s10, $0x1;
	s10 =	sadd.s32 s22, s8  }
0xa6: {  	[timem:s12], [sflag:s23] =	dma.local [hbm:s10], s21  }
0xa7: {  	_ =	swait.ge [sflag:s23], s21  }
0xa8: {  	s9 =	ssub.s32 $0x0, s21;
	[sflag:s23] =	ssyncset.done $0x0  }
0xa9: {  	[sflag:s23] =	ssyncadd.s32 s9;
	_ =	sdelay $0x1  }
0xaa: {  	s24 =	simm.s32 $0x1B8B  }
0xab: {  	_ =	swait.ge [sflag:s24], $0x1  }
0xac: {  	[sflag:s24] =	ssyncset.done $0x0  }
0xad: {  	s25 =	simm.s32 $0x1B8E;
	[sflag:s24] =	ssyncadd.s32 $0xFFFFFFFF  }
0xae: {  	s26 =	simm.s32 $execute0_lowered;
	[smem:$0x3FD2] =	sst s25  }
0xaf: {  	s9 =	sshll.u32 s26, $0x1;
	_ =	strace $0x80000046;
	[dreg:$0x1] =	wrdreg $0xFFFFFFFF  }
0xb0: {  	s28 =	simm.s32 $_size_execute0_lowered;
	s8 =	sadd.s32 s8, s9;
	[dreg:$0x0] =	wrdreg $0x0  }
0xb1: {  	s9 =	sshll.u32 s28, $0x1;
	[dreg:$0x2] =	wrdreg s8  }
0xb2: {  	[dreg:$0x3] =	wrdreg s9  }
0xb3: {  	[dreg:$0x4] =	wrdreg $0xC0  }
0xb4: {  	_ =	task [dreg:s12], $0x5FFFF  }
0xb5: {  	[dreg:$0x1] =	wrdreg $0xFFFFFFFF  }
0xb6: {  	[dreg:$0x0] =	wrdreg $0x60  }
0xb7: {  	[dreg:$0x2] =	wrdreg s2  }
0xb8: {  	[dreg:$0x3] =	wrdreg s4  }
0xb9: {  	[dreg:$0x4] =	wrdreg s5  }
0xba: {  	[dreg:$0x5] =	wrdreg s6  }
0xbb: {  	[dreg:$0x6] =	wrdreg s17  }
0xbc: {  	[dreg:$0x7] =	wrdreg s18  }
0xbd: {  	[dreg:$0x8] =	wrdreg $0x9  }
0xbe: {  	_ =	task.clear_ibuf [dreg:s12], $0x9FFFF;
	_ =	strace $0x90000046  }
0xbf: {  	s29 =	simm.s32 $0x9;
	_ =	strace $0x80000048  }
0xc0: {  	_ =	swait.ge [sflag:s29], $0x1  }
0xc1: {  	[sflag:s29] =	ssyncadd.s32 $0xFFFFFFFF  }
0xc2: {  	_ =	strace $0x90000048  }
0xc3: {  	_ =	sfence  }
0xc4: {  	s30 =	sld [smem:$0x0];
	_ =	sdelay $0x2  }
0xc5: {  	s31 =	sshll.u32 s1, $0xD;
	s1 =	sshrl.u32 s1, $0x2  }
0xc6: {  	s3 =	sand.u32 $0x4000, s31;
	s1 =	sadd.s32 s1, s30  }
0xc7: {  	s0 =	sor.u32 s3, s0;
	s1 =	sshll.u32 s1, $0x11  }
0xc8: {  	s0 =	sor.u32 s1, s0  }
0xc9: {  	s0 =	sadd.s32 $0x8F2B, s0  }
0xca: {  	[sflag:s0] =	ssyncadd.remote.s32 $0x1  }
0xcb: {  	_ =	sfence.sel $0xFFFF  }
0xcc: {  	[dreg:$0x0] =	wrdreg $0xFFFFFFFF;
	(pc) =	sbr.abs _section_cstart, $3  }
0xcd: {  	[dreg:$0x1] =	wrdreg $0xFFFFFFFF  }
0xce: {  	_ =	task.clear_ibuf [dreg:s12], $0x2FFFF;
	_ =	strace $0x9FFFFFFF  }
0xcf: {  	(tm) =	ssettm $0x7FFFFFFF  }
tec
execute0_lowered:
.L_overlay_start_1:
0x0: {  	(tag) =	ssettag $0x1  }
0x1: {  	s5 =	rddreg [dreg:$0x0]  }
0x2: {  	s6 =	rddreg [dreg:$0x1]  }
0x3: {  	s1 =	rddreg [dreg:$0x2]  }
0x4: {  	s2 =	rddreg [dreg:$0x3]  }
0x5: {  	s7 =	rddreg [dreg:$0x4]  }
0x6: {  	s0 =	srdreg.scid;
	s8 =	rddreg [dreg:$0x5]  }
0x7: {  	s3 =	stileid.u32;
	s4 =	simm.s32 $0x0;
	s12 =	simm.s32 $0x5000  }
0x8: {  	s13 =	simm.s32 $0x7710;
	s14 =	simm.s32 $0x9E20;
	s9 =	sand.u32 $0x1, s0  }
0x9: {  	s15 =	simm.s32 $0xC530;
	s16 =	simm.s32 $0x0;
	s10 =	sshll.u32 s9, $0x4  }
0xa: {  	s0 =	rddreg [dreg:$0x6];
	s9 =	ssub.s32 $0x2, s9;
	s10 =	sor.u32 s3, s10  }
0xb: {  	[smem:$0x7FF] =	sst s4;
	s11 =	sshrl.u32 s9, $0x1;
	s10 =	smul.u32 $0x4E2, s10  }
0xc: {  	_ =	strace $0x80000047;
	s9 =	ssub.s32 s9, s11;
	s11 =	simm.s32 $0x2800  }
0xd: {  	s9 =	smax.u32 s9, $0x1;
	s5 =	sadd.s32 s5, s10;
	s6 =	sadd.s32 s6, s10  }
0xe: {  	v0 =	vimm.s32 $0x2800;
	s7 =	sadd.s32 s7, s10;
	s8 =	sadd.s32 s8, s10;
	s10 =	simm.s32 $0x1  }
.LBB2_1:
0xf: {  	[tilespmem:s4], [sflag:$0x1] =	stream.linear.gather [hbm4b:s1+s4], $0x2800, $0x38;
	[tilespmem:$0xEC40] =	vst v63  }
0x10: {  	_ =	swait.ge [sflag:s10], $0x2800  }
0x11: {  	[sflag:s10] =	ssyncset.done $0x0  }
0x12: {  	[sflag:s10] =	ssyncadd.s32 $0xFFFFD800  }
0x13: {  	[tilespmem:s11], [sflag:$0x1] =	stream.linear.gather [hbm4b:s2+s4], $0x2800, $0x38;
	[tilespmem:$0xEC40] =	vst v63  }
0x14: {  	_ =	swait.ge [sflag:s10], $0x2800  }
0x15: {  	[sflag:s10] =	ssyncset.done $0x0  }
0x16: {  	[sflag:s10] =	ssyncadd.s32 $0xFFFFD800  }
0x17: {  	[tilespmem:s12], [sflag:$0x1] =	stream.linear.gather [hbm4b:s5+s4], $0x2710, $0x38;
	[tilespmem:$0xEC40] =	vst v63  }
0x18: {  	_ =	swait.ge [sflag:s10], $0x2710  }
0x19: {  	[sflag:s10] =	ssyncset.done $0x0  }
0x1a: {  	[sflag:s10] =	ssyncadd.s32 $0xFFFFD8F0  }
0x1b: {  	[tilespmem:s13], [sflag:$0x1] =	stream.linear.gather [hbm4b:s6+s4], $0x2710, $0x38;
	[tilespmem:$0xEC40] =	vst v63  }
0x1c: {  	_ =	swait.ge [sflag:s10], $0x2710  }
0x1d: {  	[sflag:s10] =	ssyncset.done $0x0  }
0x1e: {  	s17 =	simm.s32 $0x0;
	[sflag:s10] =	ssyncadd.s32 $0xFFFFD8F0  }
0x1f: {  	v1 =	vld [tilespmem:s17+$0x7710]  }
0x20: {  	v3 =	vld [tilespmem:s17+$0x5000];
	_ =	sdelay $0x6  }
0x21: {  	v4 =	vld.idx.msk [tilespmem:v1+s11+$0x0], $0xffff  }
0x22: {  	v5 =	vld.idx.msk [tilespmem:v3+s4+$0x0], $0xffff;
	_ =	sdelay $0x2  }
0x23: {  	s18 =	simm.s32 $0x10  }
0x24: {  	s19 =	simm.s32 $0x80;
	v2 =	vld [tilespmem:s18+$0x7710]  }
.LBB2_2:
0x25: {  	p0 =	sne.s32 s19, $0x9C00;
	v6 =	vld [tilespmem:s18+$0x5000];
	v4 =	vadd.f32 v4, v5;
	_ =	sdelay $0x1  }
0x26: {  	vm0 =	vgt.f32 v4, $0.0e+00  }
0x27: {  	v4 =	vsel vm0, $0x0, v0  }
0x28: {  	v5 =	vadd.s32 v3, v4;
	v4 =	vadd.s32 v1, v4;
	v1 =	vmov v2  }
0x29: {  	[tilespmem:s17+$0x9E20] =	vst v5;
	v3 =	vmov v6  }
0x2a: {  	[tilespmem:s17+$0xC530] =	vst v4;
	s17 =	smov.u32 s18  }
0x2b: {  	v4 =	vld.idx.msk [tilespmem:v2+s11+$0x0], $0xffff  }
0x2c: {  	v5 =	vld.idx.msk [tilespmem:v6+s4+$0x0], $0xffff  }
.Ltmp0:
0x2d: {  	(pc) =	sbr.rel @p0 .LBB2_2-.Ltmp0, $3  }
0x2e: {  	_ =	sdelay $0x1  }
0x2f: {  	s18 =	sshra.s32 s19, $0x2  }
0x30: {  	s19 =	sadd.s32 $0x40, s19;
	v2 =	vld [tilespmem:s18+$0x7710]  }
0x31: {  	_ = 	snop  }
0x32: {  	v6 =	vld [tilespmem:s18+$0x5000];
	v4 =	vadd.f32 v4, v5;
	_ =	sdelay $0x1  }
0x33: {  	vm0 =	vgt.f32 v4, $0.0e+00  }
0x34: {  	v4 =	vsel vm0, $0x0, v0  }
0x35: {  	v3 =	vadd.s32 v3, v4  }
0x36: {  	v1 =	vadd.s32 v1, v4;
	[tilespmem:s17+$0x9E20] =	vst v3  }
0x37: {  	[tilespmem:s17+$0xC530] =	vst v1  }
0x38: {  	v1 =	vld.idx.msk [tilespmem:v2+s11+$0x0], $0xffff  }
0x39: {  	v3 =	vld.idx.msk [tilespmem:v6+s4+$0x0], $0xffff;
	_ =	sdelay $0x4  }
0x3a: {  	v1 =	vadd.f32 v1, v3;
	_ =	sdelay $0x1  }
0x3b: {  	vm15 =	vgt.f32 v1, $0.0e+00  }
0x3c: {  	v1 =	vsel vm15, $0x0, v0  }
0x3d: {  	v3 =	vadd.s32 v6, v1  }
0x3e: {  	v1 =	vadd.s32 v2, v1;
	[tilespmem:s18+$0x9E20] =	vst v3  }
0x3f: {  	[tilespmem:s18+$0xC530] =	vst v1  }
0x40: {  	[hbm4b:s7+s4] =	stream.linear.scatter [tilespmem:s14], [sflag:$0x1], $0x2710, $0x38;
	[tilespmem:$0xEC40] =	vst v63  }
0x41: {  	s16 =	sadd.s32 $0x1, s16;
	_ =	swait.ge [sflag:s10], $0x2710  }
0x42: {  	p0 =	sne.s32 s16, s9;
	[sflag:s10] =	ssyncset.done $0x0  }
.Ltmp1:
0x43: {  	[sflag:s10] =	ssyncadd.s32 $0xFFFFD8F0;
	(pc) =	sbr.rel @p0 .LBB2_1-.Ltmp1, $4  }
0x44: {  	[hbm4b:s8+s4] =	stream.linear.scatter [tilespmem:s15], [sflag:$0x1], $0x2710, $0x38;
	[tilespmem:$0xEC40] =	vst v63  }
0x45: {  	_ =	swait.ge [sflag:s10], $0x2710  }
0x46: {  	[sflag:s10] =	ssyncset.done $0x0  }
0x47: {  	[sflag:s10] =	ssyncadd.s32 $0xFFFFD8F0  }
0x48: {  	_ =	sfence.sel $0x180000  }
0x49: {  	[bflag:$0x0] =	sbarrier.arrive $0xFFFF  }
0x4a: {  	p0 =	sne.s32 s3, $0x0;
	_ =	strace $0x90000047  }
0x4b: {  	s0 =	sadd.s32 @!p0 $0x100000, s0;
	[bflag:$0x2] =	sbarrier.arrive $0xFFFF  }
0x4c: {  	[sflag:s0] =	ssyncadd.tile.s32 @!p0 $0x1;
	_ =	shalt  }
.Lfunc_end2:
_tile_overlayer_lowered:
.L_overlay_start_2:
0x4d: {  	(tag) =	ssettag $0x2  }
0x4e: {  	s0 =	rddreg [dreg:$0x0];
	s2 =	stileid.u32  }
0x4f: {  	s1 =	rddreg [dreg:$0x1];
	p0 =	sne.s32 s2, $0x0  }
0x50: {  	s3 =	rddreg [dreg:$0x2];
	[bflag:$0x3] =	sbarrier.arrive $0xFFFF;
	s2 =	simm.s32 @!p0 $0x1C01  }
0x51: {  	[timem:s3], [sflag:s2] =	dma.local @!p0 [hbm:s0], s1  }
0x52: {  	s0 =	simm.s32 @!p0 $0x1  }
0x53: {  	_ =	swait.ge @!p0 [sflag:s0], s1  }
0x54: {  	s1 =	ssub.s32 @!p0 $0x0, s1;
	[sflag:s0] =	ssyncset.done @!p0 $0x0  }
0x55: {  	[sflag:s0] =	ssyncadd.s32 @!p0 s1  }
0x56: {  	[bflag:$0x3] =	sbarrier.arrive $0xFFFF  }
0x57: {  	_ =	shalt  }

</sc_bundles>
